<compile_context>
chip_gen: v7x
topology: tpu7x:2x2x1
jax: 0.10.2.dev20260603
libtpu: 0.0.44.dev20260713+nightly
codegen_flags: <defaults>
</compile_context>

<pallas_src>
import functools

import jax
import jax.numpy as jnp
from jax import lax
from jax.experimental import pallas as pl
from jax.experimental.pallas import tpu as pltpu
from jax.experimental.pallas import tpu_sc as plsc

BATCH = 4096
HIST = 200
D_MODEL = 128

_NC = 2
_NS = 16
_NW = _NC * _NS
_B = BATCH * HIST
_BPW = _B // _NW
_C = 128
_NCH = _BPW // _C
_NBUF = 4
_NOUT = _NCH // _NBUF

_mesh = plsc.VectorSubcoreMesh(core_axis_name="c", subcore_axis_name="s")


@functools.partial(
    pl.kernel,
    mesh=_mesh,
    out_type=jax.ShapeDtypeStruct((_B, D_MODEL), jnp.float32),
    scratch_types=[
        pltpu.VMEM((_NCH, _C), jnp.int32),
        *[pltpu.VMEM((_C, D_MODEL), jnp.float32) for _ in range(_NBUF)],
        *[pltpu.SemaphoreType.DMA for _ in range(_NBUF)],
    ],
)
def _emb_lookup(idx_hbm, table_hbm, out_hbm, idx_v, *bufs_and_sems):
    rows = bufs_and_sems[:_NBUF]
    sems = bufs_and_sems[_NBUF:]
    wid = lax.axis_index("s") * _NC + lax.axis_index("c")
    pltpu.sync_copy(idx_hbm.at[wid], idx_v)
    base = wid * _BPW

    for b in range(_NBUF):
        pltpu.async_copy(table_hbm.at[idx_v.at[b]], rows[b], sems[b])

    def outer(i, carry):
        j0 = i * _NBUF
        for b in range(_NBUF):
            pltpu.make_async_copy(table_hbm.at[idx_v.at[b]], rows[b],
                                  sems[b]).wait()
            pltpu.sync_copy(rows[b],
                            out_hbm.at[pl.ds(base + (j0 + b) * _C, _C)])

            @pl.when(i < _NOUT - 1)
            def _():
                pltpu.async_copy(table_hbm.at[idx_v.at[j0 + b + _NBUF]],
                                 rows[b], sems[b])

        return carry

    lax.fori_loop(0, _NOUT, outer, 0)


def kernel(input, weight):
    idx = input.reshape(_NW, _NCH, _C).astype(jnp.int32)
    out = _emb_lookup(idx, weight)
    return out.reshape(BATCH, HIST, D_MODEL)

# --- scband reference (transcript-rebuilt; emitter-appended) ---
"""Pipeline reference for scband-embedding-42563125903406 (READ-ONLY COPY).

The authoritative reference and input builder live on the scoring server;
editing this copy changes nothing except your own understanding.
"""

import jax, jax.numpy as jnp
import numpy as np

VOCAB = 100000
D_MODEL = 128
BATCH = 4096
HIST = 200

def setup_inputs(seed: int = 0) -> dict:
    key = jax.random.key(seed)
    k_idx, k_w = jax.random.split(key)
    indices = jax.random.randint(k_idx, (BATCH, HIST), 0, VOCAB, dtype=jnp.int64 if jax.config.jax_enable_x64 else jnp.int32)
    # nn.Embedding default init: N(0, 1)
    weight = jax.random.normal(k_w, (VOCAB, D_MODEL), dtype=jnp.float32)
    return {"input": indices, "weight": weight}

def reference(input, weight):
    # nn.Embedding forward: row gather from the embedding table
    return jnp.take(weight, input, axis=0)

if __name__ == "__main__":
    import jax
    _d = setup_inputs()
    print(jax.jit(kernel)(*tuple(_d.values())))

</pallas_src>

<mosaic_0001>
#map = affine_map<(d0, d1) -> (0, 0, 0)>
#map1 = affine_map<(d0, d1) -> (0, 0)>
module attributes {stable_mosaic.version = 14 : i64} {
  func.func @_emb_lookup(%arg0: i32, %arg1: i32, %arg2: memref<32x200x128xi32, #tpu.memory_space<hbm>>, %arg3: memref<100000x128xf32, #tpu.memory_space<hbm>>, %arg4: memref<819200x128xf32, #tpu.memory_space<hbm>>, %arg5: memref<200x128xi32, #tpu.memory_space<vmem>>, %arg6: memref<128x128xf32, #tpu.memory_space<vmem>>, %arg7: memref<128x128xf32, #tpu.memory_space<vmem>>, %arg8: memref<128x128xf32, #tpu.memory_space<vmem>>, %arg9: memref<128x128xf32, #tpu.memory_space<vmem>>, %arg10: memref<!tpu.dma_semaphore, #tpu.memory_space<semaphore_mem>>, %arg11: memref<!tpu.dma_semaphore, #tpu.memory_space<semaphore_mem>>, %arg12: memref<!tpu.dma_semaphore, #tpu.memory_space<semaphore_mem>>, %arg13: memref<!tpu.dma_semaphore, #tpu.memory_space<semaphore_mem>>) attributes {dimension_semantics = [#tpu.dimension_semantics<core_parallel>, #tpu.dimension_semantics<subcore_parallel>], iteration_bounds = array<i64: 2, 16>, scalar_prefetch = 0 : i64, scratch_operands = 9 : i64, tpu.core_type = #tpu.core_type<sc_vector_subcore>, window_params = [{transform_indices = #map}, {transform_indices = #map1}, {transform_indices = #map1}]} {
    %mul3A = arith.constant 2 : i32
    %mul3A_0 = arith.muli %arg1, %mul3A : i32
    %add3A = arith.addi %mul3A_0, %arg0 : i32
    "tpu.region"() ({
      %run_scoped3A = tpu.sem_alloc : memref<!tpu.dma_semaphore, #tpu.memory_space<semaphore_mem>>
      %dma_start3A_35 = arith.constant 0 : i32
      %dma_start3A_36 = arith.constant 0 : i32
      %dma_start3A_37 = tpu.memref_slice %arg2[%add3A, %dma_start3A_35, %dma_start3A_36] : memref<32x200x128xi32, #tpu.memory_space<hbm>> -> memref<1x200x128xi32, #tpu.memory_space<hbm>>
      %dma_start3A_38 = tpu.memref_squeeze %dma_start3A_37 : memref<1x200x128xi32, #tpu.memory_space<hbm>> -> memref<200x128xi32, #tpu.memory_space<hbm>>
      %dma_start3A_39 = arith.constant 0 : i32
      %dma_start3A_40 = arith.constant 0 : i32
      %dma_start3A_41 = tpu.memref_slice %arg2[%add3A, %dma_start3A_39, %dma_start3A_40] : memref<32x200x128xi32, #tpu.memory_space<hbm>> -> memref<1x200x128xi32, #tpu.memory_space<hbm>>
      %dma_start3A_42 = tpu.memref_squeeze %dma_start3A_41 : memref<1x200x128xi32, #tpu.memory_space<hbm>> -> memref<200x128xi32, #tpu.memory_space<hbm>>
      tpu.enqueue_dma source(%dma_start3A_42 : memref<200x128xi32, #tpu.memory_space<hbm>>) target(%arg5 : memref<200x128xi32, #tpu.memory_space<vmem>>) target_semaphore(%run_scoped3A : memref<!tpu.dma_semaphore, #tpu.memory_space<semaphore_mem>>)
      %dma_wait3A = arith.constant 0 : i32
      %dma_wait3A_43 = arith.constant 0 : i32
      %dma_wait3A_44 = tpu.memref_slice %arg2[%add3A, %dma_wait3A, %dma_wait3A_43] : memref<32x200x128xi32, #tpu.memory_space<hbm>> -> memref<1x200x128xi32, #tpu.memory_space<hbm>>
      %dma_wait3A_45 = tpu.memref_squeeze %dma_wait3A_44 : memref<1x200x128xi32, #tpu.memory_space<hbm>> -> memref<200x128xi32, #tpu.memory_space<hbm>>
      %dma_wait3A_46 = arith.constant 0 : i32
      %dma_wait3A_47 = arith.constant 0 : i32
      %dma_wait3A_48 = tpu.memref_slice %arg2[%add3A, %dma_wait3A_46, %dma_wait3A_47] : memref<32x200x128xi32, #tpu.memory_space<hbm>> -> memref<1x200x128xi32, #tpu.memory_space<hbm>>
      %dma_wait3A_49 = tpu.memref_squeeze %dma_wait3A_48 : memref<1x200x128xi32, #tpu.memory_space<hbm>> -> memref<200x128xi32, #tpu.memory_space<hbm>>
      tpu.wait_dma2 semaphore(%run_scoped3A : memref<!tpu.dma_semaphore, #tpu.memory_space<semaphore_mem>>) src(%dma_wait3A_49 : memref<200x128xi32, #tpu.memory_space<hbm>>) dst(%arg5 : memref<200x128xi32, #tpu.memory_space<vmem>>)
      tpu.yield
    }) : () -> ()
    %mul3A_1 = arith.constant 25600 : i32
    %mul3A_2 = arith.muli %add3A, %mul3A_1 : i32
    %dma_start3A = arith.constant 0 : i32
    %dma_start3A_3 = arith.constant 0 : i32
    %dma_start3A_4 = tpu.memref_slice %arg5[%dma_start3A, %dma_start3A_3] : memref<200x128xi32, #tpu.memory_space<vmem>> -> memref<1x128xi32, #tpu.memory_space<vmem>>
    %dma_start3A_5 = tpu.memref_squeeze %dma_start3A_4 : memref<1x128xi32, #tpu.memory_space<vmem>> -> memref<128xi32, #tpu.memory_space<vmem>>
    %dma_start3A_6 = arith.constant 0 : i32
    %dma_start3A_7 = arith.constant 0 : i32
    %dma_start3A_8 = tpu.memref_slice %arg3[%dma_start3A_6, %dma_start3A_7] : memref<100000x128xf32, #tpu.memory_space<hbm>> -> memref<100000x128xf32, #tpu.memory_space<hbm>>
    tpu.enqueue_indirect_dma source(%dma_start3A_8 : memref<100000x128xf32, #tpu.memory_space<hbm>>) target(%arg6 : memref<128x128xf32, #tpu.memory_space<vmem>>) offsets(%dma_start3A_5 : memref<128xi32, #tpu.memory_space<vmem>>) semaphore(%arg10 : memref<!tpu.dma_semaphore, #tpu.memory_space<semaphore_mem>>)
    %dma_start3A_9 = arith.constant 1 : i32
    %dma_start3A_10 = arith.constant 0 : i32
    %dma_start3A_11 = tpu.memref_slice %arg5[%dma_start3A_9, %dma_start3A_10] : memref<200x128xi32, #tpu.memory_space<vmem>> -> memref<1x128xi32, #tpu.memory_space<vmem>>
    %dma_start3A_12 = tpu.memref_squeeze %dma_start3A_11 : memref<1x128xi32, #tpu.memory_space<vmem>> -> memref<128xi32, #tpu.memory_space<vmem>>
    %dma_start3A_13 = arith.constant 0 : i32
    %dma_start3A_14 = arith.constant 0 : i32
    %dma_start3A_15 = tpu.memref_slice %arg3[%dma_start3A_13, %dma_start3A_14] : memref<100000x128xf32, #tpu.memory_space<hbm>> -> memref<100000x128xf32, #tpu.memory_space<hbm>>
    tpu.enqueue_indirect_dma source(%dma_start3A_15 : memref<100000x128xf32, #tpu.memory_space<hbm>>) target(%arg7 : memref<128x128xf32, #tpu.memory_space<vmem>>) offsets(%dma_start3A_12 : memref<128xi32, #tpu.memory_space<vmem>>) semaphore(%arg11 : memref<!tpu.dma_semaphore, #tpu.memory_space<semaphore_mem>>)
    %dma_start3A_16 = arith.constant 2 : i32
    %dma_start3A_17 = arith.constant 0 : i32
    %dma_start3A_18 = tpu.memref_slice %arg5[%dma_start3A_16, %dma_start3A_17] : memref<200x128xi32, #tpu.memory_space<vmem>> -> memref<1x128xi32, #tpu.memory_space<vmem>>
    %dma_start3A_19 = tpu.memref_squeeze %dma_start3A_18 : memref<1x128xi32, #tpu.memory_space<vmem>> -> memref<128xi32, #tpu.memory_space<vmem>>
    %dma_start3A_20 = arith.constant 0 : i32
    %dma_start3A_21 = arith.constant 0 : i32
    %dma_start3A_22 = tpu.memref_slice %arg3[%dma_start3A_20, %dma_start3A_21] : memref<100000x128xf32, #tpu.memory_space<hbm>> -> memref<100000x128xf32, #tpu.memory_space<hbm>>
    tpu.enqueue_indirect_dma source(%dma_start3A_22 : memref<100000x128xf32, #tpu.memory_space<hbm>>) target(%arg8 : memref<128x128xf32, #tpu.memory_space<vmem>>) offsets(%dma_start3A_19 : memref<128xi32, #tpu.memory_space<vmem>>) semaphore(%arg12 : memref<!tpu.dma_semaphore, #tpu.memory_space<semaphore_mem>>)
    %dma_start3A_23 = arith.constant 3 : i32
    %dma_start3A_24 = arith.constant 0 : i32
    %dma_start3A_25 = tpu.memref_slice %arg5[%dma_start3A_23, %dma_start3A_24] : memref<200x128xi32, #tpu.memory_space<vmem>> -> memref<1x128xi32, #tpu.memory_space<vmem>>
    %dma_start3A_26 = tpu.memref_squeeze %dma_start3A_25 : memref<1x128xi32, #tpu.memory_space<vmem>> -> memref<128xi32, #tpu.memory_space<vmem>>
    %dma_start3A_27 = arith.constant 0 : i32
    %dma_start3A_28 = arith.constant 0 : i32
    %dma_start3A_29 = tpu.memref_slice %arg3[%dma_start3A_27, %dma_start3A_28] : memref<100000x128xf32, #tpu.memory_space<hbm>> -> memref<100000x128xf32, #tpu.memory_space<hbm>>
    tpu.enqueue_indirect_dma source(%dma_start3A_29 : memref<100000x128xf32, #tpu.memory_space<hbm>>) target(%arg9 : memref<128x128xf32, #tpu.memory_space<vmem>>) offsets(%dma_start3A_26 : memref<128xi32, #tpu.memory_space<vmem>>) semaphore(%arg13 : memref<!tpu.dma_semaphore, #tpu.memory_space<semaphore_mem>>)
    %scan3A = arith.constant 0 : i32
    %scan3A_30 = arith.constant 0 : i32
    %scan3A_31 = arith.constant 50 : i32
    %scan3A_32 = arith.addi %scan3A_30, %scan3A_31 : i32
    %scan3A_33 = arith.constant 1 : i32
    scf.for %scan3A_35 = %scan3A_30 to %scan3A_32 step %scan3A_33  : i32 {
      %mul3A_36 = arith.constant 4 : i32
      %mul3A_37 = arith.muli %scan3A_35, %mul3A_36 : i32
      %dma_wait3A = arith.constant 0 : i32
      %dma_wait3A_38 = arith.constant 0 : i32
      %dma_wait3A_39 = tpu.memref_slice %arg5[%dma_wait3A, %dma_wait3A_38] : memref<200x128xi32, #tpu.memory_space<vmem>> -> memref<1x128xi32, #tpu.memory_space<vmem>>
      %dma_wait3A_40 = tpu.memref_squeeze %dma_wait3A_39 : memref<1x128xi32, #tpu.memory_space<vmem>> -> memref<128xi32, #tpu.memory_space<vmem>>
      %dma_wait3A_41 = arith.constant 0 : i32
      %dma_wait3A_42 = arith.constant 0 : i32
      %dma_wait3A_43 = tpu.memref_slice %arg3[%dma_wait3A_41, %dma_wait3A_42] : memref<100000x128xf32, #tpu.memory_space<hbm>> -> memref<100000x128xf32, #tpu.memory_space<hbm>>
      tpu.wait_indirect_dma semaphore(%arg10 : memref<!tpu.dma_semaphore, #tpu.memory_space<semaphore_mem>>) src(%dma_wait3A_43 : memref<100000x128xf32, #tpu.memory_space<hbm>>) dst(%arg6 : memref<128x128xf32, #tpu.memory_space<vmem>>)
      %add3A_44 = arith.constant 0 : i32
      %add3A_45 = arith.addi %mul3A_37, %add3A_44 : i32
      %mul3A_46 = arith.constant 128 : i32
      %mul3A_47 = arith.muli %add3A_45, %mul3A_46 : i32
      %add3A_48 = arith.addi %mul3A_2, %mul3A_47 : i32
      "tpu.region"() ({
        %run_scoped3A = tpu.sem_alloc : memref<!tpu.dma_semaphore, #tpu.memory_space<semaphore_mem>>
        %dma_start3A_102 = arith.constant 0 : i32
        %dma_start3A_103 = tpu.memref_slice %arg4[%add3A_48, %dma_start3A_102] : memref<819200x128xf32, #tpu.memory_space<hbm>> -> memref<128x128xf32, #tpu.memory_space<hbm>>
        %dma_start3A_104 = arith.constant 0 : i32
        %dma_start3A_105 = tpu.memref_slice %arg4[%add3A_48, %dma_start3A_104] : memref<819200x128xf32, #tpu.memory_space<hbm>> -> memref<128x128xf32, #tpu.memory_space<hbm>>
        tpu.enqueue_dma source(%arg6 : memref<128x128xf32, #tpu.memory_space<vmem>>) target(%dma_start3A_105 : memref<128x128xf32, #tpu.memory_space<hbm>>) target_semaphore(%run_scoped3A : memref<!tpu.dma_semaphore, #tpu.memory_space<semaphore_mem>>)
        %dma_wait3A_106 = arith.constant 0 : i32
        %dma_wait3A_107 = tpu.memref_slice %arg4[%add3A_48, %dma_wait3A_106] : memref<819200x128xf32, #tpu.memory_space<hbm>> -> memref<128x128xf32, #tpu.memory_space<hbm>>
        %dma_wait3A_108 = arith.constant 0 : i32
        %dma_wait3A_109 = tpu.memref_slice %arg4[%add3A_48, %dma_wait3A_108] : memref<819200x128xf32, #tpu.memory_space<hbm>> -> memref<128x128xf32, #tpu.memory_space<hbm>>
        tpu.wait_dma2 semaphore(%run_scoped3A : memref<!tpu.dma_semaphore, #tpu.memory_space<semaphore_mem>>) src(%arg6 : memref<128x128xf32, #tpu.memory_space<vmem>>) dst(%dma_wait3A_109 : memref<128x128xf32, #tpu.memory_space<hbm>>)
        tpu.yield
      }) : () -> ()
      %lt3A = arith.constant 49 : i32
      %lt3A_49 = arith.cmpi slt, %scan3A_35, %lt3A : i32
      %convert_element_type3A = arith.extui %lt3A_49 : i1 to i32
      %cond3A = arith.constant 0 : i32
      %cond3A_50 = arith.cmpi ne, %convert_element_type3A, %cond3A : i32
      scf.if %cond3A_50 {
        %add3A_102 = arith.constant 0 : i32
        %add3A_103 = arith.addi %mul3A_37, %add3A_102 : i32
        %add3A_104 = arith.constant 4 : i32
        %add3A_105 = arith.addi %add3A_103, %add3A_104 : i32
        %dma_start3A_106 = arith.constant 0 : i32
        %dma_start3A_107 = tpu.memref_slice %arg5[%add3A_105, %dma_start3A_106] : memref<200x128xi32, #tpu.memory_space<vmem>> -> memref<1x128xi32, #tpu.memory_space<vmem>>
        %dma_start3A_108 = tpu.memref_squeeze %dma_start3A_107 : memref<1x128xi32, #tpu.memory_space<vmem>> -> memref<128xi32, #tpu.memory_space<vmem>>
        %dma_start3A_109 = arith.constant 0 : i32
        %dma_start3A_110 = arith.constant 0 : i32
        %dma_start3A_111 = tpu.memref_slice %arg3[%dma_start3A_109, %dma_start3A_110] : memref<100000x128xf32, #tpu.memory_space<hbm>> -> memref<100000x128xf32, #tpu.memory_space<hbm>>
        tpu.enqueue_indirect_dma source(%dma_start3A_111 : memref<100000x128xf32, #tpu.memory_space<hbm>>) target(%arg6 : memref<128x128xf32, #tpu.memory_space<vmem>>) offsets(%dma_start3A_108 : memref<128xi32, #tpu.memory_space<vmem>>) semaphore(%arg10 : memref<!tpu.dma_semaphore, #tpu.memory_space<semaphore_mem>>)
      } else {
      }
      %dma_wait3A_51 = arith.constant 1 : i32
      %dma_wait3A_52 = arith.constant 0 : i32
      %dma_wait3A_53 = tpu.memref_slice %arg5[%dma_wait3A_51, %dma_wait3A_52] : memref<200x128xi32, #tpu.memory_space<vmem>> -> memref<1x128xi32, #tpu.memory_space<vmem>>
      %dma_wait3A_54 = tpu.memref_squeeze %dma_wait3A_53 : memref<1x128xi32, #tpu.memory_space<vmem>> -> memref<128xi32, #tpu.memory_space<vmem>>
      %dma_wait3A_55 = arith.constant 0 : i32
      %dma_wait3A_56 = arith.constant 0 : i32
      %dma_wait3A_57 = tpu.memref_slice %arg3[%dma_wait3A_55, %dma_wait3A_56] : memref<100000x128xf32, #tpu.memory_space<hbm>> -> memref<100000x128xf32, #tpu.memory_space<hbm>>
      tpu.wait_indirect_dma semaphore(%arg11 : memref<!tpu.dma_semaphore, #tpu.memory_space<semaphore_mem>>) src(%dma_wait3A_57 : memref<100000x128xf32, #tpu.memory_space<hbm>>) dst(%arg7 : memref<128x128xf32, #tpu.memory_space<vmem>>)
      %add3A_58 = arith.constant 1 : i32
      %add3A_59 = arith.addi %mul3A_37, %add3A_58 : i32
      %mul3A_60 = arith.constant 128 : i32
      %mul3A_61 = arith.muli %add3A_59, %mul3A_60 : i32
      %add3A_62 = arith.addi %mul3A_2, %mul3A_61 : i32
      "tpu.region"() ({
        %run_scoped3A = tpu.sem_alloc : memref<!tpu.dma_semaphore, #tpu.memory_space<semaphore_mem>>
        %dma_start3A_102 = arith.constant 0 : i32
        %dma_start3A_103 = tpu.memref_slice %arg4[%add3A_62, %dma_start3A_102] : memref<819200x128xf32, #tpu.memory_space<hbm>> -> memref<128x128xf32, #tpu.memory_space<hbm>>
        %dma_start3A_104 = arith.constant 0 : i32
        %dma_start3A_105 = tpu.memref_slice %arg4[%add3A_62, %dma_start3A_104] : memref<819200x128xf32, #tpu.memory_space<hbm>> -> memref<128x128xf32, #tpu.memory_space<hbm>>
        tpu.enqueue_dma source(%arg7 : memref<128x128xf32, #tpu.memory_space<vmem>>) target(%dma_start3A_105 : memref<128x128xf32, #tpu.memory_space<hbm>>) target_semaphore(%run_scoped3A : memref<!tpu.dma_semaphore, #tpu.memory_space<semaphore_mem>>)
        %dma_wait3A_106 = arith.constant 0 : i32
        %dma_wait3A_107 = tpu.memref_slice %arg4[%add3A_62, %dma_wait3A_106] : memref<819200x128xf32, #tpu.memory_space<hbm>> -> memref<128x128xf32, #tpu.memory_space<hbm>>
        %dma_wait3A_108 = arith.constant 0 : i32
        %dma_wait3A_109 = tpu.memref_slice %arg4[%add3A_62, %dma_wait3A_108] : memref<819200x128xf32, #tpu.memory_space<hbm>> -> memref<128x128xf32, #tpu.memory_space<hbm>>
        tpu.wait_dma2 semaphore(%run_scoped3A : memref<!tpu.dma_semaphore, #tpu.memory_space<semaphore_mem>>) src(%arg7 : memref<128x128xf32, #tpu.memory_space<vmem>>) dst(%dma_wait3A_109 : memref<128x128xf32, #tpu.memory_space<hbm>>)
        tpu.yield
      }) : () -> ()
      %lt3A_63 = arith.constant 49 : i32
      %lt3A_64 = arith.cmpi slt, %scan3A_35, %lt3A_63 : i32
      %convert_element_type3A_65 = arith.extui %lt3A_64 : i1 to i32
      %cond3A_66 = arith.constant 0 : i32
      %cond3A_67 = arith.cmpi ne, %convert_element_type3A_65, %cond3A_66 : i32
      scf.if %cond3A_67 {
        %add3A_102 = arith.constant 1 : i32
        %add3A_103 = arith.addi %mul3A_37, %add3A_102 : i32
        %add3A_104 = arith.constant 4 : i32
        %add3A_105 = arith.addi %add3A_103, %add3A_104 : i32
        %dma_start3A_106 = arith.constant 0 : i32
        %dma_start3A_107 = tpu.memref_slice %arg5[%add3A_105, %dma_start3A_106] : memref<200x128xi32, #tpu.memory_space<vmem>> -> memref<1x128xi32, #tpu.memory_space<vmem>>
        %dma_start3A_108 = tpu.memref_squeeze %dma_start3A_107 : memref<1x128xi32, #tpu.memory_space<vmem>> -> memref<128xi32, #tpu.memory_space<vmem>>
        %dma_start3A_109 = arith.constant 0 : i32
        %dma_start3A_110 = arith.constant 0 : i32
        %dma_start3A_111 = tpu.memref_slice %arg3[%dma_start3A_109, %dma_start3A_110] : memref<100000x128xf32, #tpu.memory_space<hbm>> -> memref<100000x128xf32, #tpu.memory_space<hbm>>
        tpu.enqueue_indirect_dma source(%dma_start3A_111 : memref<100000x128xf32, #tpu.memory_space<hbm>>) target(%arg7 : memref<128x128xf32, #tpu.memory_space<vmem>>) offsets(%dma_start3A_108 : memref<128xi32, #tpu.memory_space<vmem>>) semaphore(%arg11 : memref<!tpu.dma_semaphore, #tpu.memory_space<semaphore_mem>>)
      } else {
      }
      %dma_wait3A_68 = arith.constant 2 : i32
      %dma_wait3A_69 = arith.constant 0 : i32
      %dma_wait3A_70 = tpu.memref_slice %arg5[%dma_wait3A_68, %dma_wait3A_69] : memref<200x128xi32, #tpu.memory_space<vmem>> -> memref<1x128xi32, #tpu.memory_space<vmem>>
      %dma_wait3A_71 = tpu.memref_squeeze %dma_wait3A_70 : memref<1x128xi32, #tpu.memory_space<vmem>> -> memref<128xi32, #tpu.memory_space<vmem>>
      %dma_wait3A_72 = arith.constant 0 : i32
      %dma_wait3A_73 = arith.constant 0 : i32
      %dma_wait3A_74 = tpu.memref_slice %arg3[%dma_wait3A_72, %dma_wait3A_73] : memref<100000x128xf32, #tpu.memory_space<hbm>> -> memref<100000x128xf32, #tpu.memory_space<hbm>>
      tpu.wait_indirect_dma semaphore(%arg12 : memref<!tpu.dma_semaphore, #tpu.memory_space<semaphore_mem>>) src(%dma_wait3A_74 : memref<100000x128xf32, #tpu.memory_space<hbm>>) dst(%arg8 : memref<128x128xf32, #tpu.memory_space<vmem>>)
      %add3A_75 = arith.constant 2 : i32
      %add3A_76 = arith.addi %mul3A_37, %add3A_75 : i32
      %mul3A_77 = arith.constant 128 : i32
      %mul3A_78 = arith.muli %add3A_76, %mul3A_77 : i32
      %add3A_79 = arith.addi %mul3A_2, %mul3A_78 : i32
      "tpu.region"() ({
        %run_scoped3A = tpu.sem_alloc : memref<!tpu.dma_semaphore, #tpu.memory_space<semaphore_mem>>
        %dma_start3A_102 = arith.constant 0 : i32
        %dma_start3A_103 = tpu.memref_slice %arg4[%add3A_79, %dma_start3A_102] : memref<819200x128xf32, #tpu.memory_space<hbm>> -> memref<128x128xf32, #tpu.memory_space<hbm>>
        %dma_start3A_104 = arith.constant 0 : i32
        %dma_start3A_105 = tpu.memref_slice %arg4[%add3A_79, %dma_start3A_104] : memref<819200x128xf32, #tpu.memory_space<hbm>> -> memref<128x128xf32, #tpu.memory_space<hbm>>
        tpu.enqueue_dma source(%arg8 : memref<128x128xf32, #tpu.memory_space<vmem>>) target(%dma_start3A_105 : memref<128x128xf32, #tpu.memory_space<hbm>>) target_semaphore(%run_scoped3A : memref<!tpu.dma_semaphore, #tpu.memory_space<semaphore_mem>>)
        %dma_wait3A_106 = arith.constant 0 : i32
        %dma_wait3A_107 = tpu.memref_slice %arg4[%add3A_79, %dma_wait3A_106] : memref<819200x128xf32, #tpu.memory_space<hbm>> -> memref<128x128xf32, #tpu.memory_space<hbm>>
        %dma_wait3A_108 = arith.constant 0 : i32
        %dma_wait3A_109 = tpu.memref_slice %arg4[%add3A_79, %dma_wait3A_108] : memref<819200x128xf32, #tpu.memory_space<hbm>> -> memref<128x128xf32, #tpu.memory_space<hbm>>
        tpu.wait_dma2 semaphore(%run_scoped3A : memref<!tpu.dma_semaphore, #tpu.memory_space<semaphore_mem>>) src(%arg8 : memref<128x128xf32, #tpu.memory_space<vmem>>) dst(%dma_wait3A_109 : memref<128x128xf32, #tpu.memory_space<hbm>>)
        tpu.yield
      }) : () -> ()
      %lt3A_80 = arith.constant 49 : i32
      %lt3A_81 = arith.cmpi slt, %scan3A_35, %lt3A_80 : i32
      %convert_element_type3A_82 = arith.extui %lt3A_81 : i1 to i32
      %cond3A_83 = arith.constant 0 : i32
      %cond3A_84 = arith.cmpi ne, %convert_element_type3A_82, %cond3A_83 : i32
      scf.if %cond3A_84 {
        %add3A_102 = arith.constant 2 : i32
        %add3A_103 = arith.addi %mul3A_37, %add3A_102 : i32
        %add3A_104 = arith.constant 4 : i32
        %add3A_105 = arith.addi %add3A_103, %add3A_104 : i32
        %dma_start3A_106 = arith.constant 0 : i32
        %dma_start3A_107 = tpu.memref_slice %arg5[%add3A_105, %dma_start3A_106] : memref<200x128xi32, #tpu.memory_space<vmem>> -> memref<1x128xi32, #tpu.memory_space<vmem>>
        %dma_start3A_108 = tpu.memref_squeeze %dma_start3A_107 : memref<1x128xi32, #tpu.memory_space<vmem>> -> memref<128xi32, #tpu.memory_space<vmem>>
        %dma_start3A_109 = arith.constant 0 : i32
        %dma_start3A_110 = arith.constant 0 : i32
        %dma_start3A_111 = tpu.memref_slice %arg3[%dma_start3A_109, %dma_start3A_110] : memref<100000x128xf32, #tpu.memory_space<hbm>> -> memref<100000x128xf32, #tpu.memory_space<hbm>>
        tpu.enqueue_indirect_dma source(%dma_start3A_111 : memref<100000x128xf32, #tpu.memory_space<hbm>>) target(%arg8 : memref<128x128xf32, #tpu.memory_space<vmem>>) offsets(%dma_start3A_108 : memref<128xi32, #tpu.memory_space<vmem>>) semaphore(%arg12 : memref<!tpu.dma_semaphore, #tpu.memory_space<semaphore_mem>>)
      } else {
      }
      %dma_wait3A_85 = arith.constant 3 : i32
      %dma_wait3A_86 = arith.constant 0 : i32
      %dma_wait3A_87 = tpu.memref_slice %arg5[%dma_wait3A_85, %dma_wait3A_86] : memref<200x128xi32, #tpu.memory_space<vmem>> -> memref<1x128xi32, #tpu.memory_space<vmem>>
      %dma_wait3A_88 = tpu.memref_squeeze %dma_wait3A_87 : memref<1x128xi32, #tpu.memory_space<vmem>> -> memref<128xi32, #tpu.memory_space<vmem>>
      %dma_wait3A_89 = arith.constant 0 : i32
      %dma_wait3A_90 = arith.constant 0 : i32
      %dma_wait3A_91 = tpu.memref_slice %arg3[%dma_wait3A_89, %dma_wait3A_90] : memref<100000x128xf32, #tpu.memory_space<hbm>> -> memref<100000x128xf32, #tpu.memory_space<hbm>>
      tpu.wait_indirect_dma semaphore(%arg13 : memref<!tpu.dma_semaphore, #tpu.memory_space<semaphore_mem>>) src(%dma_wait3A_91 : memref<100000x128xf32, #tpu.memory_space<hbm>>) dst(%arg9 : memref<128x128xf32, #tpu.memory_space<vmem>>)
      %add3A_92 = arith.constant 3 : i32
      %add3A_93 = arith.addi %mul3A_37, %add3A_92 : i32
      %mul3A_94 = arith.constant 128 : i32
      %mul3A_95 = arith.muli %add3A_93, %mul3A_94 : i32
      %add3A_96 = arith.addi %mul3A_2, %mul3A_95 : i32
      "tpu.region"() ({
        %run_scoped3A = tpu.sem_alloc : memref<!tpu.dma_semaphore, #tpu.memory_space<semaphore_mem>>
        %dma_start3A_102 = arith.constant 0 : i32
        %dma_start3A_103 = tpu.memref_slice %arg4[%add3A_96, %dma_start3A_102] : memref<819200x128xf32, #tpu.memory_space<hbm>> -> memref<128x128xf32, #tpu.memory_space<hbm>>
        %dma_start3A_104 = arith.constant 0 : i32
        %dma_start3A_105 = tpu.memref_slice %arg4[%add3A_96, %dma_start3A_104] : memref<819200x128xf32, #tpu.memory_space<hbm>> -> memref<128x128xf32, #tpu.memory_space<hbm>>
        tpu.enqueue_dma source(%arg9 : memref<128x128xf32, #tpu.memory_space<vmem>>) target(%dma_start3A_105 : memref<128x128xf32, #tpu.memory_space<hbm>>) target_semaphore(%run_scoped3A : memref<!tpu.dma_semaphore, #tpu.memory_space<semaphore_mem>>)
        %dma_wait3A_106 = arith.constant 0 : i32
        %dma_wait3A_107 = tpu.memref_slice %arg4[%add3A_96, %dma_wait3A_106] : memref<819200x128xf32, #tpu.memory_space<hbm>> -> memref<128x128xf32, #tpu.memory_space<hbm>>
        %dma_wait3A_108 = arith.constant 0 : i32
        %dma_wait3A_109 = tpu.memref_slice %arg4[%add3A_96, %dma_wait3A_108] : memref<819200x128xf32, #tpu.memory_space<hbm>> -> memref<128x128xf32, #tpu.memory_space<hbm>>
        tpu.wait_dma2 semaphore(%run_scoped3A : memref<!tpu.dma_semaphore, #tpu.memory_space<semaphore_mem>>) src(%arg9 : memref<128x128xf32, #tpu.memory_space<vmem>>) dst(%dma_wait3A_109 : memref<128x128xf32, #tpu.memory_space<hbm>>)
        tpu.yield
      }) : () -> ()
      %lt3A_97 = arith.constant 49 : i32
      %lt3A_98 = arith.cmpi slt, %scan3A_35, %lt3A_97 : i32
      %convert_element_type3A_99 = arith.extui %lt3A_98 : i1 to i32
      %cond3A_100 = arith.constant 0 : i32
      %cond3A_101 = arith.cmpi ne, %convert_element_type3A_99, %cond3A_100 : i32
      scf.if %cond3A_101 {
        %add3A_102 = arith.constant 3 : i32
        %add3A_103 = arith.addi %mul3A_37, %add3A_102 : i32
        %add3A_104 = arith.constant 4 : i32
        %add3A_105 = arith.addi %add3A_103, %add3A_104 : i32
        %dma_start3A_106 = arith.constant 0 : i32
        %dma_start3A_107 = tpu.memref_slice %arg5[%add3A_105, %dma_start3A_106] : memref<200x128xi32, #tpu.memory_space<vmem>> -> memref<1x128xi32, #tpu.memory_space<vmem>>
        %dma_start3A_108 = tpu.memref_squeeze %dma_start3A_107 : memref<1x128xi32, #tpu.memory_space<vmem>> -> memref<128xi32, #tpu.memory_space<vmem>>
        %dma_start3A_109 = arith.constant 0 : i32
        %dma_start3A_110 = arith.constant 0 : i32
        %dma_start3A_111 = tpu.memref_slice %arg3[%dma_start3A_109, %dma_start3A_110] : memref<100000x128xf32, #tpu.memory_space<hbm>> -> memref<100000x128xf32, #tpu.memory_space<hbm>>
        tpu.enqueue_indirect_dma source(%dma_start3A_111 : memref<100000x128xf32, #tpu.memory_space<hbm>>) target(%arg9 : memref<128x128xf32, #tpu.memory_space<vmem>>) offsets(%dma_start3A_108 : memref<128xi32, #tpu.memory_space<vmem>>) semaphore(%arg13 : memref<!tpu.dma_semaphore, #tpu.memory_space<semaphore_mem>>)
      } else {
      }
    }
    %scan3A_34 = arith.constant 50 : i32
    return
  }
}

</mosaic_0001>

<sc_bundles>
// kernel: kernel.3.cloned.1.call-start
scs
__scs_entry_jumppad:
0x0: {  	(pc) =	sbr.rel $0x88, $3  }
0x1: {  	(tag) =	ssettag $0x0;
	lr =	simm.s32 $0x1  }
0x2: {  	[smem:$0x3F9F] =	sst lr;
	_ =	strace $0xD0000000  }
0x3: {  	_ = 	snop  }
0x4: {  	_ = 	snop  }
0x5: {  	_ = 	snop  }
0x6: {  	_ = 	snop  }
0x7: {  	_ = 	snop  }
__scs_overlays_trampoline_lowered:
0x8: {  	[smem:$0x3FAE] =	sst s0  }
0x9: {  	[smem:$0x3FAF] =	sst s1  }
0xa: {  	[smem:$0x3FB0] =	sst s2  }
0xb: {  	[smem:$0x3FB1] =	sst s3  }
0xc: {  	[smem:$0x3FB2] =	sst s4  }
0xd: {  	[smem:$0x3FB3] =	sst s5  }
0xe: {  	[smem:$0x3FB4] =	sst s6  }
0xf: {  	[smem:$0x3FB5] =	sst s7  }
0x10: {  	[smem:$0x3FB6] =	sst s8  }
0x11: {  	[smem:$0x3FB7] =	sst s9;
	s0 =	simm.s32 @!p0 $0x0  }
0x12: {  	s1 =	sld [smem:$0x3F9D];
	s0 =	simm.s32 @p0 $0x1  }
0x13: {  	[smem:$0x3FB8] =	sst s0;
	s0 =	simm.s32 @!p1 $0x0  }
0x14: {  	s2 =	sld [smem:$0x3F9C];
	s0 =	simm.s32 @p1 $0x1  }
0x15: {  	[smem:$0x3FB9] =	sst s0;
	s0 =	simm.s32 @!p2 $0x0  }
0x16: {  	s3 =	sld [smem:$0x3FDB];
	s0 =	simm.s32 @p2 $0x1  }
0x17: {  	s4 =	simm.s32 $0x1BF5;
	[smem:$0x3FBB] =	sst s0  }
0x18: {  	s0 =	sld [smem:$0x3F9E];
	_ =	swait.ge [sflag:s4], $0x0  }
0x19: {  	s7 =	sld [smem:$0x3F9F]  }
0x1a: {  	s8 =	sadd.s32 $0xFFFFE003, lr  }
0x1b: {  	s9 =	sadd.s32 $0xFFFFFEF7, lr;
	s5 =	simm.s32 $0xFFFFFFFF;
	p2 =	slt.u32 s8, $0xFFFFF086  }
0x1c: {  	p1 =	slt.u32 s9, $0xF7A;
	s5 =	simm.s32 @!p2 $0x0  }
0x1d: {  	s5 =	simm.s32 @p1 $0x1;
	p0 =	seq.s32 s7, s2  }
0x1e: {  	s7 =	smul.u32 @!p0 $0xF7A, s2;
	p2 =	seq.s32 @!p0 s5, $0x0  }
0x1f: {  	s9 =	smul.u32 $0xF7A, s1;
	s8 =	simm.s32 @!p0 $0x1BF5;
	p2 =	por !p2, p0  }
0x20: {  	[sflag:s8] =	ssyncset.s32 @!p0 $0xFFFFF086;
	s6 =	sadd.s32 @!p0 s3, s7;
	s7 =	simm.s32 @!p0 $0x108  }
0x21: {  	s3 =	sadd.s32 s3, s9;
	s6 =	sadd.s32 @!p0 $0x88, s6;
	s7 =	simm.s32 @p2 $0x1082  }
0x22: {  	[simem:s7], [sflag:s8] =	dma.local @!p0 [hbm:s6], $0xF7A  }
0x23: {  	s9 =	sor.u32 $0xD0000000, s2;
	s6 =	simm.s32 $0x108;
	_ =	swait.ge @!p0 [sflag:s8], $0x0  }
0x24: {  	s3 =	sadd.s32 $0x88, s3;
	s6 =	simm.s32 @!p1 $0x1082;
	[sflag:s4] =	ssyncset.s32 $0xFFFFF086  }
0x25: {  	[simem:s6], [sflag:s4] =	dma.local [hbm:s3], $0xF7A  }
0x26: {  	[smem:$0x3F9F] =	sst s1;
	(tag) =	ssettag s2;
	_ =	strace s9  }
0x27: {  	s1 =	sld [smem:$0x3FAF]  }
0x28: {  	s2 =	sld [smem:$0x3FB0]  }
0x29: {  	s4 =	sld [smem:$0x3FB2]  }
0x2a: {  	p0 =	seq.s32 s5, $0x0;
	s5 =	sld [smem:$0x3FB3]  }
0x2b: {  	s6 =	sld [smem:$0x3FB4]  }
0x2c: {  	s7 =	sld [smem:$0x3FB5]  }
0x2d: {  	s3 =	simm.s32 $0x108;
	s8 =	sld [smem:$0x3FB6]  }
0x2e: {  	s3 =	simm.s32 @!p0 $0x1082;
	s9 =	sld [smem:$0x3FB7]  }
0x2f: {  	lr =	sadd.s32 s0, s3;
	s0 =	sld [smem:$0x3FAE]  }
0x30: {  	s3 =	sld [smem:$0x3FB1]  }
0x31: {  	[smem:$0x3FBA] =	sst s10  }
0x32: {  	s10 =	sld [smem:$0x3FB8];
	_ =	sdelay $0x3  }
0x33: {  	p0 =	seq.s32 s10, $0x1;
	s10 =	sld [smem:$0x3FBA];
	_ =	sdelay $0x3  }
0x34: {  	[smem:$0x3FBA] =	sst s10  }
0x35: {  	s10 =	sld [smem:$0x3FB9];
	_ =	sdelay $0x3  }
0x36: {  	p1 =	seq.s32 s10, $0x1;
	s10 =	sld [smem:$0x3FBA];
	_ =	sdelay $0x3  }
0x37: {  	[smem:$0x3FBA] =	sst s10  }
0x38: {  	s10 =	sld [smem:$0x3FBB]  }
0x39: {  	_ = 	snop;
	(pc) =	sbr.ind lr, $3  }
0x3a: {  	_ = 	snop  }
0x3b: {  	_ = 	snop  }
0x3c: {  	p2 =	seq.s32 s10, $0x1;
	s10 =	sld [smem:$0x3FBA]  }
0x3d: {  	_ =	shalt  }
0x3e: {  	_ =	shalt  }
0x3f: {  	_ =	shalt  }
0x40: {  	_ =	shalt  }
0x41: {  	_ =	shalt  }
0x42: {  	_ =	shalt  }
0x43: {  	_ =	shalt  }
0x44: {  	_ =	shalt  }
0x45: {  	_ =	shalt  }
0x46: {  	_ =	shalt  }
0x47: {  	_ =	shalt  }
0x48: {  	_ =	shalt  }
0x49: {  	_ =	shalt  }
0x4a: {  	_ =	shalt  }
0x4b: {  	_ =	shalt  }
0x4c: {  	_ =	shalt  }
0x4d: {  	_ =	shalt  }
0x4e: {  	_ =	shalt  }
0x4f: {  	_ =	shalt  }
0x50: {  	_ =	shalt  }
0x51: {  	_ =	shalt  }
0x52: {  	_ =	shalt  }
0x53: {  	_ =	shalt  }
0x54: {  	_ =	shalt  }
0x55: {  	_ =	shalt  }
0x56: {  	_ =	shalt  }
0x57: {  	_ =	shalt  }
0x58: {  	_ =	shalt  }
0x59: {  	_ =	shalt  }
0x5a: {  	_ =	shalt  }
0x5b: {  	_ =	shalt  }
0x5c: {  	_ =	shalt  }
0x5d: {  	_ =	shalt  }
0x5e: {  	_ =	shalt  }
0x5f: {  	_ =	shalt  }
0x60: {  	_ =	shalt  }
0x61: {  	_ =	shalt  }
0x62: {  	_ =	shalt  }
0x63: {  	_ =	shalt  }
0x64: {  	_ =	shalt  }
0x65: {  	_ =	shalt  }
0x66: {  	_ =	shalt  }
0x67: {  	_ =	shalt  }
0x68: {  	_ =	shalt  }
0x69: {  	_ =	shalt  }
0x6a: {  	_ =	shalt  }
0x6b: {  	_ =	shalt  }
0x6c: {  	_ =	shalt  }
0x6d: {  	_ =	shalt  }
0x6e: {  	_ =	shalt  }
0x6f: {  	_ =	shalt  }
0x70: {  	_ =	shalt  }
0x71: {  	_ =	shalt  }
0x72: {  	_ =	shalt  }
0x73: {  	_ =	shalt  }
0x74: {  	_ =	shalt  }
0x75: {  	_ =	shalt  }
0x76: {  	_ =	shalt  }
0x77: {  	_ =	shalt  }
0x78: {  	_ =	shalt  }
0x79: {  	_ =	shalt  }
0x7a: {  	_ =	shalt  }
0x7b: {  	_ =	shalt  }
0x7c: {  	_ =	shalt  }
0x7d: {  	_ =	shalt  }
0x7e: {  	_ =	shalt  }
0x7f: {  	_ =	shalt  }
0x80: {  	_ =	shalt  }
0x81: {  	_ =	shalt  }
0x82: {  	_ =	shalt  }
0x83: {  	_ =	shalt  }
0x84: {  	_ =	shalt  }
0x85: {  	_ =	shalt  }
0x86: {  	_ =	shalt  }
0x87: {  	_ =	shalt  }
.Lfunc_end0:
.L_simem_size_0:
called_computation_lowered:
.L_overlay_start_0:
0x88: {  	s2 =	sld [smem:$0x3FD9]  }
0x89: {  	s3 =	sld [smem:$0x3FFE];
	_ =	sdelay $0x1  }
0x8a: {  	s1 =	srdreg.scid  }
0x8b: {  	s0 =	sand.u32 $0x1, s1  }
0x8c: {  	s17 =	sshll.u32 s0, $0xA;
	s2 =	sadd.s32 s3, s2  }
0x8d: {  	s2 =	sadd.s32 s2, s17  }
0x8e: {  	[smem:$0x3FC6] =	sst s2  }
0x8f: {  	_ = 	snop  }
0x90: {  	s2 =	sld [smem:$0x3FC8]  }
0x91: {  	s18 =	sld [smem:$0x3FD0];
	(tm) =	ssettm $0x1  }
0x92: {  	s4 =	sld [smem:$0x3FFB];
	_ =	sdelay $0x3  }
0x93: {  	_ =	strace s4  }
0x94: {  	s4 =	sld [smem:$0x3FFC];
	_ =	sdelay $0x3  }
0x95: {  	_ =	strace s4  }
0x96: {  	s4 =	sld [smem:$0x3FFD];
	_ =	sdelay $0x3  }
0x97: {  	_ =	strace s4  }
0x98: {  	_ =	strace $0x8FFFFFFF  }
0x99: {  	s19 =	sld [smem:$0x3FDB];
	_ =	sdelay $0x1  }
0x9a: {  	s5 =	simm.s32 $_scs_section_size  }
0x9b: {  	s6 =	simm.s32 $_size__tile_overlayer_lowered;
	s7 =	simm.s32 $_tile_overlayer_lowered  }
0x9c: {  	s22 =	simm.s32 $0x1BFF;
	s21 =	sshll.u32 s7, $0x1;
	s4 =	sadd.s32 s5, s19  }
0x9d: {  	s8 =	simm.s32 $0x0;
	s20 =	sshll.u32 s6, $0x1;
	s6 =	sadd.s32 s21, s4  }
0x9e: {  	[timem:s8], [sflag:s22] =	dma.local [hbm:s6], s20  }
0x9f: {  	_ =	swait.ge [sflag:s22], s20  }
0xa0: {  	s5 =	ssub.s32 $0x0, s20;
	[sflag:s22] =	ssyncset.done $0x0  }
0xa1: {  	[sflag:s22] =	ssyncadd.s32 s5;
	_ =	sdelay $0x1  }
0xa2: {  	s23 =	simm.s32 $0x1B8B  }
0xa3: {  	_ =	swait.ge [sflag:s23], $0x1  }
0xa4: {  	[sflag:s23] =	ssyncset.done $0x0  }
0xa5: {  	s25 =	simm.s32 $0x1B8E;
	s24 =	sld [smem:$0x3FFE];
	[sflag:s23] =	ssyncadd.s32 $0xFFFFFFFF  }
0xa6: {  	s26 =	simm.s32 $execute0_lowered;
	[smem:$0x3FD2] =	sst s25  }
0xa7: {  	s6 =	sshll.u32 s26, $0x1;
	_ =	strace $0x80000046;
	[dreg:$0x1] =	wrdreg $0xFFFFFFFF  }
0xa8: {  	s28 =	simm.s32 $_size_execute0_lowered;
	s4 =	sadd.s32 s4, s6;
	[dreg:$0x0] =	wrdreg $0x0  }
0xa9: {  	s6 =	sshll.u32 s28, $0x1;
	[dreg:$0x2] =	wrdreg s4  }
0xaa: {  	[dreg:$0x3] =	wrdreg s6  }
0xab: {  	[dreg:$0x4] =	wrdreg $0xC0  }
0xac: {  	_ =	task [dreg:s8], $0x5FFFF  }
0xad: {  	[dreg:$0x1] =	wrdreg $0xFFFFFFFF  }
0xae: {  	[dreg:$0x0] =	wrdreg $0x60  }
0xaf: {  	[dreg:$0x2] =	wrdreg s24  }
0xb0: {  	[dreg:$0x3] =	wrdreg s2  }
0xb1: {  	[dreg:$0x4] =	wrdreg s18  }
0xb2: {  	[dreg:$0x5] =	wrdreg $0x9  }
0xb3: {  	_ =	task.clear_ibuf [dreg:s8], $0x6FFFF;
	_ =	strace $0x90000046  }
0xb4: {  	s29 =	simm.s32 $0x9;
	_ =	strace $0x80000048  }
0xb5: {  	_ =	swait.ge [sflag:s29], $0x1  }
0xb6: {  	[sflag:s29] =	ssyncadd.s32 $0xFFFFFFFF  }
0xb7: {  	_ =	strace $0x90000048  }
0xb8: {  	_ =	sfence  }
0xb9: {  	s30 =	sld [smem:$0x0];
	_ =	sdelay $0x2  }
0xba: {  	s31 =	sshll.u32 s1, $0xD;
	s1 =	sshrl.u32 s1, $0x2  }
0xbb: {  	s3 =	sand.u32 $0x4000, s31;
	s1 =	sadd.s32 s1, s30  }
0xbc: {  	s0 =	sor.u32 s3, s0;
	s1 =	sshll.u32 s1, $0x11  }
0xbd: {  	s0 =	sor.u32 s1, s0  }
0xbe: {  	s0 =	sadd.s32 $0x8F2B, s0  }
0xbf: {  	[sflag:s0] =	ssyncadd.remote.s32 $0x1  }
0xc0: {  	_ =	sfence.sel $0xFFFF  }
0xc1: {  	[dreg:$0x0] =	wrdreg $0xFFFFFFFF;
	(pc) =	sbr.abs _section_cstart, $3  }
0xc2: {  	[dreg:$0x1] =	wrdreg $0xFFFFFFFF  }
0xc3: {  	_ =	task.clear_ibuf [dreg:s8], $0x2FFFF;
	_ =	strace $0x9FFFFFFF  }
0xc4: {  	(tm) =	ssettm $0x7FFFFFFF  }
0xc5: {  	_ =	shalt  }
tec
execute0_lowered:
.L_overlay_start_1:
0x0: {  	(tag) =	ssettag $0x1  }
0x1: {  	s4 =	rddreg [dreg:$0x0]  }
0x2: {  	s1 =	srdreg.scid;
	s2 =	rddreg [dreg:$0x1]  }
0x3: {  	s0 =	stileid.u32;
	s10 =	rddreg [dreg:$0x2];
	s3 =	simm.s32 $0x0  }
0x4: {  	s15 =	simm.s32 $0xA400;
	s16 =	simm.s32 $0x100;
	s17 =	simm.s32 $0xE400  }
0x5: {  	s18 =	simm.s32 $0x180;
	s19 =	simm.s32 $0x12400;
	s20 =	simm.s32 $0x1  }
0x6: {  	s21 =	simm.s32 $0x2;
	s22 =	simm.s32 $0x3;
	s11 =	smul.u32 $0x640000, s0  }
0x7: {  	s23 =	simm.s32 $0x4;
	s9 =	sand.u32 $0x1, s1;
	s14 =	smul.u32 $0xC8000, s0  }
0x8: {  	s24 =	simm.s32 $0x0;
	s25 =	sshll.u32 s0, $0x1;
	s13 =	smul.u32 $0x320000, s9  }
0x9: {  	s1 =	rddreg [dreg:$0x3];
	s5 =	sor.u32 s9, s25;
	s30 =	smul.u32 $0x64000, s9  }
0xa: {  	[smem:$0x7FF] =	sst s3;
	s7 =	ssub.s32 $0x2, s9;
	s6 =	smul.u32 $0x6400, s5  }
0xb: {  	_ =	strace $0x80000047;
	s26 =	sshrl.u32 s7, $0x1;
	s8 =	smul.u32 $0x320000, s5  }
0xc: {  	s28 =	smul.u32 $0x64000, s5;
	s31 =	sadd.s32 s14, s10;
	s14 =	simm.s32 $0x6400  }
0xd: {  	s11 =	sadd.s32 s13, s11;
	s13 =	simm.s32 $0x80;
	s6 =	sshrl.u32 s6, $0x3  }
0xe: {  	s29 =	sshrl.u32 s8, $0x3;
	s12 =	sadd.s32 s10, s28;
	s11 =	sshrl.u32 s11, $0x3  }
0xf: {  	s4 =	sadd.s32 s6, s4;
	s6 =	ssub.s32 s7, s26;
	s7 =	sadd.s32 $0x62800, s12  }
0x10: {  	s8 =	sadd.s32 $0x63000, s12;
	s9 =	sadd.s32 $0x63800, s12;
	s12 =	simm.s32 $0x5  }
0x11: {  	s4 =	sadd.s32 $0x400, s4;
	s5 =	smax.u32 s6, $0x1;
	s6 =	sadd.s32 s10, s29  }
0x12: {  	s10 =	sadd.s32 s11, s10;
	s11 =	sadd.s32 s30, s31;
	s6 =	sadd.s32 $0x62000, s6  }
.LBB2_1:
0x13: {  	[tilespmem:s3], [sflag:$0x5] =	stream.linear.gather [hbm4b:s4+s3], $0x6400, $0x38;
	[tilespmem:$0x16400] =	vst v63  }
0x14: {  	_ =	swait.ge [sflag:s12], $0x6400  }
0x15: {  	[sflag:s12] =	ssyncset.done $0x0  }
0x16: {  	[sflag:s12] =	ssyncadd.s32 $0xFFFF9C00  }
0x17: {  	[tilespmem:s14], [sflag:$0x1] =	stream.indirect.gather [hbm4b:s2+s13], $0x80, s3, s13, $0xb8;
	[tilespmem:$0x16400] =	vst v63  }
0x18: {  	_ = 	snop  }
0x19: {  	[tilespmem:s15], [sflag:$0x2] =	stream.indirect.gather [hbm4b:s2+s13], $0x80, s13, s13, $0xb8;
	[tilespmem:$0x16400] =	vst v63  }
0x1a: {  	_ = 	snop  }
0x1b: {  	[tilespmem:s17], [sflag:$0x3] =	stream.indirect.gather [hbm4b:s2+s13], $0x80, s16, s13, $0xb8;
	[tilespmem:$0x16400] =	vst v63  }
0x1c: {  	_ = 	snop  }
0x1d: {  	[tilespmem:s19], [sflag:$0x4] =	stream.indirect.gather [hbm4b:s2+s13], $0x80, s18, s13, $0xb8;
	[tilespmem:$0x16400] =	vst v63  }
0x1e: {  	_ =	swait.ge [sflag:s20], $0x4000  }
0x1f: {  	[sflag:s20] =	ssyncset.done $0x0  }
0x20: {  	s25 =	sadd.s32 $0x0, s10;
	[sflag:s20] =	ssyncadd.s32 $0xFFFFC000  }
0x21: {  	[hbm4b:s25+s3] =	stream.linear.scatter [tilespmem:s14], [sflag:$0x5], $0x4000, $0x38;
	[tilespmem:$0x16400] =	vst v63  }
0x22: {  	_ =	swait.ge [sflag:s12], $0x4000  }
0x23: {  	[sflag:s12] =	ssyncset.done $0x0  }
0x24: {  	s26 =	simm.s32 $0x200;
	[sflag:s12] =	ssyncadd.s32 $0xFFFFC000  }
0x25: {  	[tilespmem:s14], [sflag:$0x1] =	stream.indirect.gather [hbm4b:s2+s13], $0x80, s26, s13, $0xb8;
	[tilespmem:$0x16400] =	vst v63  }
0x26: {  	_ =	swait.ge [sflag:s21], $0x4000  }
0x27: {  	s25 =	sadd.s32 $0x0, s11;
	[sflag:s21] =	ssyncset.done $0x0  }
0x28: {  	s26 =	sadd.s32 $0x800, s25;
	[sflag:s21] =	ssyncadd.s32 $0xFFFFC000  }
0x29: {  	[hbm4b:s26+s3] =	stream.linear.scatter [tilespmem:s15], [sflag:$0x5], $0x4000, $0x38;
	[tilespmem:$0x16400] =	vst v63  }
0x2a: {  	_ =	swait.ge [sflag:s12], $0x4000  }
0x2b: {  	[sflag:s12] =	ssyncset.done $0x0  }
0x2c: {  	s29 =	simm.s32 $0x280;
	[sflag:s12] =	ssyncadd.s32 $0xFFFFC000  }
0x2d: {  	[tilespmem:s15], [sflag:$0x2] =	stream.indirect.gather [hbm4b:s2+s13], $0x80, s29, s13, $0xb8;
	[tilespmem:$0x16400] =	vst v63  }
0x2e: {  	_ =	swait.ge [sflag:s22], $0x4000  }
0x2f: {  	[sflag:s22] =	ssyncset.done $0x0  }
0x30: {  	s30 =	sadd.s32 $0x1000, s25;
	[sflag:s22] =	ssyncadd.s32 $0xFFFFC000  }
0x31: {  	[hbm4b:s30+s3] =	stream.linear.scatter [tilespmem:s17], [sflag:$0x5], $0x4000, $0x38;
	[tilespmem:$0x16400] =	vst v63  }
0x32: {  	_ =	swait.ge [sflag:s12], $0x4000  }
0x33: {  	[sflag:s12] =	ssyncset.done $0x0  }
0x34: {  	s31 =	simm.s32 $0x300;
	[sflag:s12] =	ssyncadd.s32 $0xFFFFC000  }
0x35: {  	[tilespmem:s17], [sflag:$0x3] =	stream.indirect.gather [hbm4b:s2+s13], $0x80, s31, s13, $0xb8;
	[tilespmem:$0x16400] =	vst v63  }
0x36: {  	_ =	swait.ge [sflag:s23], $0x4000  }
0x37: {  	[sflag:s23] =	ssyncset.done $0x0  }
0x38: {  	s25 =	sadd.s32 $0x1800, s25;
	[sflag:s23] =	ssyncadd.s32 $0xFFFFC000  }
0x39: {  	[hbm4b:s25+s3] =	stream.linear.scatter [tilespmem:s19], [sflag:$0x5], $0x4000, $0x38;
	[tilespmem:$0x16400] =	vst v63  }
0x3a: {  	_ =	swait.ge [sflag:s12], $0x4000  }
0x3b: {  	s28 =	simm.s32 $0x580;
	[sflag:s12] =	ssyncset.done $0x0  }
0x3c: {  	s26 =	simm.s32 $0x2000;
	s25 =	simm.s32 $0x380;
	[sflag:s12] =	ssyncadd.s32 $0xFFFFC000  }
.LBB2_2:
0x3d: {  	[tilespmem:s19], [sflag:$0x4] =	stream.indirect.gather [hbm4b:s2+s13], $0x80, s25, s13, $0xb8;
	[tilespmem:$0x16400] =	vst v63  }
0x3e: {  	s29 =	smov.u32 s26;
	s25 =	smov.u32 s28  }
0x3f: {  	p0 =	sne.s32 s26, $0x60000;
	s26 =	sadd.s32 $0x2000, s26;
	_ =	swait.ge [sflag:s20], $0x4000  }
0x40: {  	[sflag:s20] =	ssyncset.done $0x0  }
0x41: {  	s30 =	sadd.s32 s29, s10;
	[sflag:s20] =	ssyncadd.s32 $0xFFFFC000  }
0x42: {  	[hbm4b:s30+s3] =	stream.linear.scatter [tilespmem:s14], [sflag:$0x5], $0x4000, $0x38;
	[tilespmem:$0x16400] =	vst v63  }
0x43: {  	_ =	swait.ge [sflag:s12], $0x4000  }
0x44: {  	[sflag:s12] =	ssyncset.done $0x0  }
0x45: {  	s30 =	sadd.s32 $0xFFFFFE80, s28;
	[sflag:s12] =	ssyncadd.s32 $0xFFFFC000  }
0x46: {  	[tilespmem:s14], [sflag:$0x1] =	stream.indirect.gather [hbm4b:s2+s13], $0x80, s30, s13, $0xb8;
	[tilespmem:$0x16400] =	vst v63  }
0x47: {  	_ =	swait.ge [sflag:s21], $0x4000  }
0x48: {  	s29 =	sadd.s32 s29, s11;
	[sflag:s21] =	ssyncset.done $0x0  }
0x49: {  	s30 =	sadd.s32 $0x800, s29;
	[sflag:s21] =	ssyncadd.s32 $0xFFFFC000  }
0x4a: {  	[hbm4b:s30+s3] =	stream.linear.scatter [tilespmem:s15], [sflag:$0x5], $0x4000, $0x38;
	[tilespmem:$0x16400] =	vst v63  }
0x4b: {  	_ =	swait.ge [sflag:s12], $0x4000  }
0x4c: {  	[sflag:s12] =	ssyncset.done $0x0  }
0x4d: {  	s30 =	sadd.s32 $0xFFFFFF00, s28;
	[sflag:s12] =	ssyncadd.s32 $0xFFFFC000  }
0x4e: {  	[tilespmem:s15], [sflag:$0x2] =	stream.indirect.gather [hbm4b:s2+s13], $0x80, s30, s13, $0xb8;
	[tilespmem:$0x16400] =	vst v63  }
0x4f: {  	_ =	swait.ge [sflag:s22], $0x4000  }
0x50: {  	[sflag:s22] =	ssyncset.done $0x0  }
0x51: {  	s30 =	sadd.s32 $0x1000, s29;
	[sflag:s22] =	ssyncadd.s32 $0xFFFFC000  }
0x52: {  	[hbm4b:s30+s3] =	stream.linear.scatter [tilespmem:s17], [sflag:$0x5], $0x4000, $0x38;
	[tilespmem:$0x16400] =	vst v63  }
0x53: {  	_ =	swait.ge [sflag:s12], $0x4000  }
0x54: {  	[sflag:s12] =	ssyncset.done $0x0  }
0x55: {  	s30 =	sadd.s32 $0xFFFFFF80, s28;
	[sflag:s12] =	ssyncadd.s32 $0xFFFFC000  }
0x56: {  	[tilespmem:s17], [sflag:$0x3] =	stream.indirect.gather [hbm4b:s2+s13], $0x80, s30, s13, $0xb8;
	[tilespmem:$0x16400] =	vst v63  }
0x57: {  	_ =	swait.ge [sflag:s23], $0x4000  }
0x58: {  	[sflag:s23] =	ssyncset.done $0x0  }
.Ltmp0:
0x59: {  	s29 =	sadd.s32 $0x1800, s29;
	[sflag:s23] =	ssyncadd.s32 $0xFFFFC000;
	(pc) =	sbr.rel @p0 .LBB2_2-.Ltmp0, $4  }
0x5a: {  	[hbm4b:s29+s3] =	stream.linear.scatter [tilespmem:s19], [sflag:$0x5], $0x4000, $0x38;
	[tilespmem:$0x16400] =	vst v63  }
0x5b: {  	_ =	swait.ge [sflag:s12], $0x4000  }
0x5c: {  	[sflag:s12] =	ssyncset.done $0x0  }
0x5d: {  	s28 =	sadd.s32 $0x200, s28;
	[sflag:s12] =	ssyncadd.s32 $0xFFFFC000  }
0x5e: {  	[tilespmem:s19], [sflag:$0x4] =	stream.indirect.gather [hbm4b:s2+s13], $0x80, s25, s13, $0xb8;
	[tilespmem:$0x16400] =	vst v63  }
0x5f: {  	_ =	swait.ge [sflag:s20], $0x4000  }
0x60: {  	[sflag:s20] =	ssyncset.done $0x0  }
0x61: {  	[sflag:s20] =	ssyncadd.s32 $0xFFFFC000  }
0x62: {  	[hbm4b:s6+s3] =	stream.linear.scatter [tilespmem:s14], [sflag:$0x5], $0x4000, $0x38;
	[tilespmem:$0x16400] =	vst v63  }
0x63: {  	_ =	swait.ge [sflag:s12], $0x4000  }
0x64: {  	[sflag:s12] =	ssyncset.done $0x0  }
0x65: {  	[sflag:s12] =	ssyncadd.s32 $0xFFFFC000  }
0x66: {  	_ =	swait.ge [sflag:s21], $0x4000  }
0x67: {  	[sflag:s21] =	ssyncset.done $0x0  }
0x68: {  	[sflag:s21] =	ssyncadd.s32 $0xFFFFC000  }
0x69: {  	[hbm4b:s7+s3] =	stream.linear.scatter [tilespmem:s15], [sflag:$0x5], $0x4000, $0x38;
	[tilespmem:$0x16400] =	vst v63  }
0x6a: {  	_ =	swait.ge [sflag:s12], $0x4000  }
0x6b: {  	[sflag:s12] =	ssyncset.done $0x0  }
0x6c: {  	[sflag:s12] =	ssyncadd.s32 $0xFFFFC000  }
0x6d: {  	_ =	swait.ge [sflag:s22], $0x4000  }
0x6e: {  	[sflag:s22] =	ssyncset.done $0x0  }
0x6f: {  	[sflag:s22] =	ssyncadd.s32 $0xFFFFC000  }
0x70: {  	[hbm4b:s8+s3] =	stream.linear.scatter [tilespmem:s17], [sflag:$0x5], $0x4000, $0x38;
	[tilespmem:$0x16400] =	vst v63  }
0x71: {  	_ =	swait.ge [sflag:s12], $0x4000  }
0x72: {  	[sflag:s12] =	ssyncset.done $0x0  }
0x73: {  	[sflag:s12] =	ssyncadd.s32 $0xFFFFC000  }
0x74: {  	s24 =	sadd.s32 $0x1, s24;
	_ =	swait.ge [sflag:s23], $0x4000  }
0x75: {  	p0 =	sne.s32 s24, s5;
	[sflag:s23] =	ssyncset.done $0x0  }
.Ltmp1:
0x76: {  	[sflag:s23] =	ssyncadd.s32 $0xFFFFC000;
	(pc) =	sbr.rel @p0 .LBB2_1-.Ltmp1, $4  }
0x77: {  	[hbm4b:s9+s3] =	stream.linear.scatter [tilespmem:s19], [sflag:$0x5], $0x4000, $0x38;
	[tilespmem:$0x16400] =	vst v63  }
0x78: {  	_ =	swait.ge [sflag:s12], $0x4000  }
0x79: {  	[sflag:s12] =	ssyncset.done $0x0  }
0x7a: {  	[sflag:s12] =	ssyncadd.s32 $0xFFFFC000  }
0x7b: {  	_ =	sfence.sel $0x180000  }
0x7c: {  	[bflag:$0x0] =	sbarrier.arrive $0xFFFF  }
0x7d: {  	p0 =	sne.s32 s0, $0x0;
	_ =	strace $0x90000047  }
0x7e: {  	s0 =	sadd.s32 @!p0 $0x100000, s1;
	[bflag:$0x2] =	sbarrier.arrive $0xFFFF  }
0x7f: {  	[sflag:s0] =	ssyncadd.tile.s32 @!p0 $0x1;
	_ =	shalt  }
.Lfunc_end2:
_tile_overlayer_lowered:
.L_overlay_start_2:
0x80: {  	(tag) =	ssettag $0x2  }
0x81: {  	s0 =	rddreg [dreg:$0x0];
	s2 =	stileid.u32  }
0x82: {  	s1 =	rddreg [dreg:$0x1];
	p0 =	sne.s32 s2, $0x0  }
0x83: {  	s3 =	rddreg [dreg:$0x2];
	[bflag:$0x3] =	sbarrier.arrive $0xFFFF;
	s2 =	simm.s32 @!p0 $0x1C05  }
0x84: {  	[timem:s3], [sflag:s2] =	dma.local @!p0 [hbm:s0], s1  }
0x85: {  	s0 =	simm.s32 @!p0 $0x5  }
0x86: {  	_ =	swait.ge @!p0 [sflag:s0], s1  }
0x87: {  	s1 =	ssub.s32 @!p0 $0x0, s1;
	[sflag:s0] =	ssyncset.done @!p0 $0x0  }
0x88: {  	[sflag:s0] =	ssyncadd.s32 @!p0 s1  }
0x89: {  	[bflag:$0x3] =	sbarrier.arrive $0xFFFF  }
0x8a: {  	_ =	shalt  }

</sc_bundles>
